<compile_context>
chip_gen: v7x
topology: tpu7x:2x2x1
jax: 0.10.2.dev20260603
libtpu: 0.0.44.dev20260713+nightly
codegen_flags: <defaults>
</compile_context>

<pallas_src>
import jax
import jax.numpy as jnp
from jax import lax
from jax.experimental import pallas as pl
from jax.experimental.pallas import tpu as pltpu
from jax.experimental.pallas import tpu_sc as plsc

BATCH = 16384
L = 16
NW = 4
CHUNK = BATCH // NW


def _sc_body(tau_hbm, inputs_hbm, theta_hbm, mu_hbm, out_hbm,
             idx_v, th_v, mu_v, tau_v, out_v, sem_g, sem_t):
    base = lax.axis_index("s") * CHUNK
    in_cp = pltpu.make_async_copy(inputs_hbm, idx_v.at[pl.ds(0, 1)], sem_g)
    in_cp.start()
    tau_cp = pltpu.make_async_copy(tau_hbm.at[pl.ds(base, CHUNK)], tau_v, sem_t)
    tau_cp.start()
    in_cp.wait()
    th_cp = pltpu.make_async_copy(theta_hbm.at[idx_v.at[pl.ds(0, 1)]], th_v.at[pl.ds(0, 1)], sem_g)
    mu_cp = pltpu.make_async_copy(mu_hbm.at[idx_v.at[pl.ds(0, 1)]], mu_v.at[pl.ds(0, 1)], sem_g)
    th_cp.start()
    mu_cp.start()
    th_cp.wait()
    mu_cp.wait()
    nth = -th_v[...][0]
    nm = -mu_v[...][0]
    tau_cp.wait()

    @plsc.parallel_loop(0, CHUNK, step=L, unroll=16)
    def _compute(i):
        x = tau_v[pl.ds(i, L)]
        out_v[pl.ds(i, L)] = 1.0 / (1.0 + jnp.exp(nth + nm * x))

    pltpu.sync_copy(out_v, out_hbm.at[pl.ds(base, CHUNK)])


@jax.jit
def _embed_sigmoid(tau, inputs, theta, mu):
    k = pl.kernel(
        _sc_body,
        out_type=jax.ShapeDtypeStruct((BATCH,), jnp.float32),
        mesh=plsc.VectorSubcoreMesh(core_axis_name="c", subcore_axis_name="s",
                                    num_cores=1, num_subcores=NW),
        scratch_types=[
            pltpu.VMEM((L,), jnp.int32),
            pltpu.VMEM((L,), jnp.float32),
            pltpu.VMEM((L,), jnp.float32),
            pltpu.VMEM((CHUNK,), jnp.float32),
            pltpu.VMEM((CHUNK,), jnp.float32),
            pltpu.SemaphoreType.DMA,
            pltpu.SemaphoreType.DMA,
        ],
    )
    return k(tau, inputs, theta, mu)


def kernel(tau, inputs, theta, mu):
    return _embed_sigmoid(tau, inputs, theta, mu)

# --- scband reference (transcript-rebuilt; emitter-appended) ---
"""Pipeline reference for scband-embed-handler-13778255086057 (READ-ONLY COPY).

The authoritative reference and input builder live on the scoring server;
editing this copy changes nothing except your own understanding.
"""

import jax, jax.numpy as jnp
import numpy as np

ACTIONS = 1000000
BATCH = 16384

def setup_inputs(seed: int = 0) -> dict:
    key = jax.random.key(seed)
    k1, k2, k3, k4 = jax.random.split(key, 4)
    tau = jax.random.normal(k1, (BATCH,), dtype=jnp.float32)
    inputs = jax.random.randint(k2, (1,), 0, ACTIONS, dtype=jnp.int32)
    # Learned parameters sized per init_kwargs (actions_count); the torch module
    # initializes them to zeros but initWeights() uses uniform(-0.5, 0.5), so use
    # uniform values for a non-degenerate reference.
    theta = jax.random.uniform(k3, (ACTIONS,), minval=-0.5, maxval=0.5, dtype=jnp.float32)
    mu = jax.random.uniform(k4, (ACTIONS,), minval=-0.5, maxval=0.5, dtype=jnp.float32)
    return {"tau": tau, "inputs": inputs, "theta": theta, "mu": mu}

def reference(tau, inputs, theta, mu):
    # inputs has rank 1 -> ix = inputs[0] (matches torch branch)
    ix = inputs[0]
    # gather a single scalar from each parameter table (embedding-style lookup)
    th = jnp.take(theta, ix)
    m = jnp.take(mu, ix)
    return jax.nn.sigmoid(th + m * tau)

if __name__ == "__main__":
    import jax
    _d = setup_inputs()
    print(jax.jit(kernel)(*tuple(_d.values())))

</pallas_src>

<mosaic_0001>
#map = affine_map<(d0, d1) -> (0)>
module attributes {stable_mosaic.version = 14 : i64} {
  func.func @_sc_body(%arg0: i32, %arg1: i32, %arg2: memref<16384xf32, #tpu.memory_space<hbm>>, %arg3: memref<1xi32, #tpu.memory_space<hbm>>, %arg4: memref<1000000xf32, #tpu.memory_space<hbm>>, %arg5: memref<1000000xf32, #tpu.memory_space<hbm>>, %arg6: memref<16384xf32, #tpu.memory_space<hbm>>, %arg7: memref<16xi32, #tpu.memory_space<vmem>>, %arg8: memref<16xf32, #tpu.memory_space<vmem>>, %arg9: memref<16xf32, #tpu.memory_space<vmem>>, %arg10: memref<4096xf32, #tpu.memory_space<vmem>>, %arg11: memref<4096xf32, #tpu.memory_space<vmem>>, %arg12: memref<!tpu.dma_semaphore, #tpu.memory_space<semaphore_mem>>, %arg13: memref<!tpu.dma_semaphore, #tpu.memory_space<semaphore_mem>>) attributes {dimension_semantics = [#tpu.dimension_semantics<core_parallel>, #tpu.dimension_semantics<subcore_parallel>], iteration_bounds = array<i64: 1, 4>, scalar_prefetch = 0 : i64, scratch_operands = 7 : i64, tpu.core_type = #tpu.core_type<sc_vector_subcore>, window_params = [{transform_indices = #map}, {transform_indices = #map}, {transform_indices = #map}, {transform_indices = #map}, {transform_indices = #map}]} {
    %mul3A = arith.constant 4096 : i32
    %mul3A_0 = arith.muli %arg1, %mul3A : i32
    %dma_start3A = arith.constant 0 : i32
    %dma_start3A_1 = tpu.memref_slice %arg7[%dma_start3A] : memref<16xi32, #tpu.memory_space<vmem>> -> memref<1xi32, #tpu.memory_space<vmem>>
    %dma_start3A_2 = arith.constant 0 : i32
    %dma_start3A_3 = tpu.memref_slice %arg7[%dma_start3A_2] : memref<16xi32, #tpu.memory_space<vmem>> -> memref<1xi32, #tpu.memory_space<vmem>>
    tpu.enqueue_dma source(%arg3 : memref<1xi32, #tpu.memory_space<hbm>>) target(%dma_start3A_3 : memref<1xi32, #tpu.memory_space<vmem>>) target_semaphore(%arg12 : memref<!tpu.dma_semaphore, #tpu.memory_space<semaphore_mem>>)
    %dma_start3A_4 = tpu.memref_slice %arg2[%mul3A_0] : memref<16384xf32, #tpu.memory_space<hbm>> -> memref<4096xf32, #tpu.memory_space<hbm>>
    %dma_start3A_5 = tpu.memref_slice %arg2[%mul3A_0] : memref<16384xf32, #tpu.memory_space<hbm>> -> memref<4096xf32, #tpu.memory_space<hbm>>
    tpu.enqueue_dma source(%dma_start3A_5 : memref<4096xf32, #tpu.memory_space<hbm>>) target(%arg10 : memref<4096xf32, #tpu.memory_space<vmem>>) target_semaphore(%arg13 : memref<!tpu.dma_semaphore, #tpu.memory_space<semaphore_mem>>)
    %dma_wait3A = arith.constant 0 : i32
    %dma_wait3A_6 = tpu.memref_slice %arg7[%dma_wait3A] : memref<16xi32, #tpu.memory_space<vmem>> -> memref<1xi32, #tpu.memory_space<vmem>>
    %dma_wait3A_7 = arith.constant 0 : i32
    %dma_wait3A_8 = tpu.memref_slice %arg7[%dma_wait3A_7] : memref<16xi32, #tpu.memory_space<vmem>> -> memref<1xi32, #tpu.memory_space<vmem>>
    tpu.wait_dma2 semaphore(%arg12 : memref<!tpu.dma_semaphore, #tpu.memory_space<semaphore_mem>>) src(%arg3 : memref<1xi32, #tpu.memory_space<hbm>>) dst(%dma_wait3A_8 : memref<1xi32, #tpu.memory_space<vmem>>)
    %dma_start3A_9 = arith.constant 0 : i32
    %dma_start3A_10 = tpu.memref_slice %arg8[%dma_start3A_9] : memref<16xf32, #tpu.memory_space<vmem>> -> memref<1xf32, #tpu.memory_space<vmem>>
    %dma_start3A_11 = arith.constant 0 : i32
    %dma_start3A_12 = tpu.memref_slice %arg7[%dma_start3A_11] : memref<16xi32, #tpu.memory_space<vmem>> -> memref<1xi32, #tpu.memory_space<vmem>>
    %dma_start3A_13 = arith.constant 0 : i32
    %dma_start3A_14 = tpu.memref_slice %arg4[%dma_start3A_13] : memref<1000000xf32, #tpu.memory_space<hbm>> -> memref<1000000xf32, #tpu.memory_space<hbm>>
    tpu.enqueue_indirect_dma source(%dma_start3A_14 : memref<1000000xf32, #tpu.memory_space<hbm>>) target(%dma_start3A_10 : memref<1xf32, #tpu.memory_space<vmem>>) offsets(%dma_start3A_12 : memref<1xi32, #tpu.memory_space<vmem>>) semaphore(%arg12 : memref<!tpu.dma_semaphore, #tpu.memory_space<semaphore_mem>>)
    %dma_start3A_15 = arith.constant 0 : i32
    %dma_start3A_16 = tpu.memref_slice %arg9[%dma_start3A_15] : memref<16xf32, #tpu.memory_space<vmem>> -> memref<1xf32, #tpu.memory_space<vmem>>
    %dma_start3A_17 = arith.constant 0 : i32
    %dma_start3A_18 = tpu.memref_slice %arg7[%dma_start3A_17] : memref<16xi32, #tpu.memory_space<vmem>> -> memref<1xi32, #tpu.memory_space<vmem>>
    %dma_start3A_19 = arith.constant 0 : i32
    %dma_start3A_20 = tpu.memref_slice %arg5[%dma_start3A_19] : memref<1000000xf32, #tpu.memory_space<hbm>> -> memref<1000000xf32, #tpu.memory_space<hbm>>
    tpu.enqueue_indirect_dma source(%dma_start3A_20 : memref<1000000xf32, #tpu.memory_space<hbm>>) target(%dma_start3A_16 : memref<1xf32, #tpu.memory_space<vmem>>) offsets(%dma_start3A_18 : memref<1xi32, #tpu.memory_space<vmem>>) semaphore(%arg12 : memref<!tpu.dma_semaphore, #tpu.memory_space<semaphore_mem>>)
    %dma_wait3A_21 = arith.constant 0 : i32
    %dma_wait3A_22 = tpu.memref_slice %arg8[%dma_wait3A_21] : memref<16xf32, #tpu.memory_space<vmem>> -> memref<1xf32, #tpu.memory_space<vmem>>
    %dma_wait3A_23 = arith.constant 0 : i32
    %dma_wait3A_24 = tpu.memref_slice %arg7[%dma_wait3A_23] : memref<16xi32, #tpu.memory_space<vmem>> -> memref<1xi32, #tpu.memory_space<vmem>>
    %dma_wait3A_25 = arith.constant 0 : i32
    %dma_wait3A_26 = tpu.memref_slice %arg4[%dma_wait3A_25] : memref<1000000xf32, #tpu.memory_space<hbm>> -> memref<1000000xf32, #tpu.memory_space<hbm>>
    tpu.wait_indirect_dma semaphore(%arg12 : memref<!tpu.dma_semaphore, #tpu.memory_space<semaphore_mem>>) src(%dma_wait3A_26 : memref<1000000xf32, #tpu.memory_space<hbm>>) dst(%dma_wait3A_22 : memref<1xf32, #tpu.memory_space<vmem>>)
    %dma_wait3A_27 = arith.constant 0 : i32
    %dma_wait3A_28 = tpu.memref_slice %arg9[%dma_wait3A_27] : memref<16xf32, #tpu.memory_space<vmem>> -> memref<1xf32, #tpu.memory_space<vmem>>
    %dma_wait3A_29 = arith.constant 0 : i32
    %dma_wait3A_30 = tpu.memref_slice %arg7[%dma_wait3A_29] : memref<16xi32, #tpu.memory_space<vmem>> -> memref<1xi32, #tpu.memory_space<vmem>>
    %dma_wait3A_31 = arith.constant 0 : i32
    %dma_wait3A_32 = tpu.memref_slice %arg5[%dma_wait3A_31] : memref<1000000xf32, #tpu.memory_space<hbm>> -> memref<1000000xf32, #tpu.memory_space<hbm>>
    tpu.wait_indirect_dma semaphore(%arg12 : memref<!tpu.dma_semaphore, #tpu.memory_space<semaphore_mem>>) src(%dma_wait3A_32 : memref<1000000xf32, #tpu.memory_space<hbm>>) dst(%dma_wait3A_28 : memref<1xf32, #tpu.memory_space<vmem>>)
    %get3A = arith.constant 0 : index
    %get3A_33 = tpu.vector_load %arg8[%get3A] {strides = array<i32>} : memref<16xf32, #tpu.memory_space<vmem>>, vector<16xf32>,
    %get3A_34 = vector.shape_cast %get3A_33 : vector<16xf32> to vector<16xf32>
    %slice3A = vector.extract_strided_slice %get3A_34 {offsets = [0], sizes = [1], strides = [1]} : vector<16xf32> to vector<1xf32>
    %squeeze3A = vector.extract %slice3A[0] : f32 from vector<1xf32>
    %neg3A = arith.constant 0.000000e+00 : f32
    %neg3A_35 = arith.subf %neg3A, %squeeze3A : f32
    %get3A_36 = arith.constant 0 : index
    %get3A_37 = tpu.vector_load %arg9[%get3A_36] {strides = array<i32>} : memref<16xf32, #tpu.memory_space<vmem>>, vector<16xf32>,
    %get3A_38 = vector.shape_cast %get3A_37 : vector<16xf32> to vector<16xf32>
    %slice3A_39 = vector.extract_strided_slice %get3A_38 {offsets = [0], sizes = [1], strides = [1]} : vector<16xf32> to vector<1xf32>
    %squeeze3A_40 = vector.extract %slice3A_39[0] : f32 from vector<1xf32>
    %neg3A_41 = arith.constant 0.000000e+00 : f32
    %neg3A_42 = arith.subf %neg3A_41, %squeeze3A_40 : f32
    %dma_wait3A_43 = tpu.memref_slice %arg2[%mul3A_0] : memref<16384xf32, #tpu.memory_space<hbm>> -> memref<4096xf32, #tpu.memory_space<hbm>>
    %dma_wait3A_44 = tpu.memref_slice %arg2[%mul3A_0] : memref<16384xf32, #tpu.memory_space<hbm>> -> memref<4096xf32, #tpu.memory_space<hbm>>
    tpu.wait_dma2 semaphore(%arg13 : memref<!tpu.dma_semaphore, #tpu.memory_space<semaphore_mem>>) src(%dma_wait3A_44 : memref<4096xf32, #tpu.memory_space<hbm>>) dst(%arg10 : memref<4096xf32, #tpu.memory_space<vmem>>)
    %parallel_loop3A = arith.constant 0 : i32
    %parallel_loop3A_45 = arith.constant 4096 : i32
    %parallel_loop3A_46 = arith.constant 16 : i32
    scf.for %parallel_loop3A_47 = %parallel_loop3A to %parallel_loop3A_45 step %parallel_loop3A_46  : i32 {
      %parallel_loop3A_48 = arith.index_cast %parallel_loop3A_47 : i32 to index
      %parallel_loop3A_49 = tpu.vector_load %arg10[%parallel_loop3A_48] {strides = array<i32>} : memref<4096xf32, #tpu.memory_space<vmem>>, vector<16xf32>,
      %parallel_loop3A_50 = vector.shape_cast %parallel_loop3A_49 : vector<16xf32> to vector<16xf32>
      %parallel_loop3A_51 = vector.broadcast %neg3A_42 : f32 to vector<16xf32>
      %parallel_loop3A_52 = arith.mulf %parallel_loop3A_51, %parallel_loop3A_50 : vector<16xf32>
      %parallel_loop3A_53 = vector.broadcast %neg3A_35 : f32 to vector<16xf32>
      %parallel_loop3A_54 = arith.addf %parallel_loop3A_53, %parallel_loop3A_52 : vector<16xf32>
      %parallel_loop3A_55 = math.exp %parallel_loop3A_54 : vector<16xf32>
      %parallel_loop3A_56 = arith.constant 1.000000e+00 : f32
      %parallel_loop3A_57 = vector.broadcast %parallel_loop3A_56 : f32 to vector<16xf32>
      %parallel_loop3A_58 = arith.addf %parallel_loop3A_57, %parallel_loop3A_55 : vector<16xf32>
      %parallel_loop3A_59 = arith.constant 1.000000e+00 : f32
      %parallel_loop3A_60 = vector.broadcast %parallel_loop3A_59 : f32 to vector<16xf32>
      %parallel_loop3A_61 = arith.divf %parallel_loop3A_60, %parallel_loop3A_58 : vector<16xf32>
      %parallel_loop3A_62 = arith.index_cast %parallel_loop3A_47 : i32 to index
      %parallel_loop3A_63 = tpu.vector_load %arg11[%parallel_loop3A_62] {strides = array<i32>} : memref<4096xf32, #tpu.memory_space<vmem>>, vector<16xf32>,
      %parallel_loop3A_64 = vector.shape_cast %parallel_loop3A_63 : vector<16xf32> to vector<16xf32>
      %parallel_loop3A_65 = vector.shape_cast %parallel_loop3A_61 : vector<16xf32> to vector<16xf32>
      tpu.vector_store %arg11[%parallel_loop3A_62], %parallel_loop3A_65 {strides = array<i32>} : memref<4096xf32, #tpu.memory_space<vmem>>, vector<16xf32>,
    } {sc.loop_unroll_factor = 16 : i64, sc.parallel_access}
    "tpu.region"() ({
      %run_scoped3A = tpu.sem_alloc : memref<!tpu.dma_semaphore, #tpu.memory_space<semaphore_mem>>
      %dma_start3A_47 = tpu.memref_slice %arg6[%mul3A_0] : memref<16384xf32, #tpu.memory_space<hbm>> -> memref<4096xf32, #tpu.memory_space<hbm>>
      %dma_start3A_48 = tpu.memref_slice %arg6[%mul3A_0] : memref<16384xf32, #tpu.memory_space<hbm>> -> memref<4096xf32, #tpu.memory_space<hbm>>
      tpu.enqueue_dma source(%arg11 : memref<4096xf32, #tpu.memory_space<vmem>>) target(%dma_start3A_48 : memref<4096xf32, #tpu.memory_space<hbm>>) target_semaphore(%run_scoped3A : memref<!tpu.dma_semaphore, #tpu.memory_space<semaphore_mem>>)
      %dma_wait3A_49 = tpu.memref_slice %arg6[%mul3A_0] : memref<16384xf32, #tpu.memory_space<hbm>> -> memref<4096xf32, #tpu.memory_space<hbm>>
      %dma_wait3A_50 = tpu.memref_slice %arg6[%mul3A_0] : memref<16384xf32, #tpu.memory_space<hbm>> -> memref<4096xf32, #tpu.memory_space<hbm>>
      tpu.wait_dma2 semaphore(%run_scoped3A : memref<!tpu.dma_semaphore, #tpu.memory_space<semaphore_mem>>) src(%arg11 : memref<4096xf32, #tpu.memory_space<vmem>>) dst(%dma_wait3A_50 : memref<4096xf32, #tpu.memory_space<hbm>>)
      tpu.yield
    }) : () -> ()
    return
  }
}

</mosaic_0001>

<sc_bundles>
// kernel: _embed_sigmoid.3.cloned.1.call-start
scs
__scs_entry_jumppad:
0x0: {  	(pc) =	sbr.rel $0x88, $3  }
0x1: {  	(tag) =	ssettag $0x0;
	lr =	simm.s32 $0x1  }
0x2: {  	[smem:$0x3F9D] =	sst lr;
	_ =	strace $0xD0000000  }
0x3: {  	_ = 	snop  }
0x4: {  	_ = 	snop  }
0x5: {  	_ = 	snop  }
0x6: {  	_ = 	snop  }
0x7: {  	_ = 	snop  }
__scs_overlays_trampoline_lowered:
0x8: {  	[smem:$0x3FAC] =	sst s0  }
0x9: {  	[smem:$0x3FAD] =	sst s1  }
0xa: {  	[smem:$0x3FAE] =	sst s2  }
0xb: {  	[smem:$0x3FAF] =	sst s3  }
0xc: {  	[smem:$0x3FB0] =	sst s4  }
0xd: {  	[smem:$0x3FB1] =	sst s5  }
0xe: {  	[smem:$0x3FB2] =	sst s6  }
0xf: {  	[smem:$0x3FB3] =	sst s7  }
0x10: {  	[smem:$0x3FB4] =	sst s8  }
0x11: {  	[smem:$0x3FB5] =	sst s9;
	s0 =	simm.s32 @!p0 $0x0  }
0x12: {  	s1 =	sld [smem:$0x3F9B];
	s0 =	simm.s32 @p0 $0x1  }
0x13: {  	[smem:$0x3FB6] =	sst s0;
	s0 =	simm.s32 @!p1 $0x0  }
0x14: {  	s2 =	sld [smem:$0x3F9A];
	s0 =	simm.s32 @p1 $0x1  }
0x15: {  	[smem:$0x3FB7] =	sst s0;
	s0 =	simm.s32 @!p2 $0x0  }
0x16: {  	s3 =	sld [smem:$0x3FDB];
	s0 =	simm.s32 @p2 $0x1  }
0x17: {  	s4 =	simm.s32 $0x1BF5;
	[smem:$0x3FB9] =	sst s0  }
0x18: {  	s0 =	sld [smem:$0x3F9C];
	_ =	swait.ge [sflag:s4], $0x0  }
0x19: {  	s7 =	sld [smem:$0x3F9D]  }
0x1a: {  	s8 =	sadd.s32 $0xFFFFE003, lr  }
0x1b: {  	s9 =	sadd.s32 $0xFFFFFEF7, lr;
	s5 =	simm.s32 $0xFFFFFFFF;
	p2 =	slt.u32 s8, $0xFFFFF086  }
0x1c: {  	p1 =	slt.u32 s9, $0xF7A;
	s5 =	simm.s32 @!p2 $0x0  }
0x1d: {  	s5 =	simm.s32 @p1 $0x1;
	p0 =	seq.s32 s7, s2  }
0x1e: {  	s7 =	smul.u32 @!p0 $0xF7A, s2;
	p2 =	seq.s32 @!p0 s5, $0x0  }
0x1f: {  	s9 =	smul.u32 $0xF7A, s1;
	s8 =	simm.s32 @!p0 $0x1BF5;
	p2 =	por !p2, p0  }
0x20: {  	[sflag:s8] =	ssyncset.s32 @!p0 $0xFFFFF086;
	s6 =	sadd.s32 @!p0 s3, s7;
	s7 =	simm.s32 @!p0 $0x108  }
0x21: {  	s3 =	sadd.s32 s3, s9;
	s6 =	sadd.s32 @!p0 $0x88, s6;
	s7 =	simm.s32 @p2 $0x1082  }
0x22: {  	[simem:s7], [sflag:s8] =	dma.local @!p0 [hbm:s6], $0xF7A  }
0x23: {  	s9 =	sor.u32 $0xD0000000, s2;
	s6 =	simm.s32 $0x108;
	_ =	swait.ge @!p0 [sflag:s8], $0x0  }
0x24: {  	s3 =	sadd.s32 $0x88, s3;
	s6 =	simm.s32 @!p1 $0x1082;
	[sflag:s4] =	ssyncset.s32 $0xFFFFF086  }
0x25: {  	[simem:s6], [sflag:s4] =	dma.local [hbm:s3], $0xF7A  }
0x26: {  	[smem:$0x3F9D] =	sst s1;
	(tag) =	ssettag s2;
	_ =	strace s9  }
0x27: {  	s1 =	sld [smem:$0x3FAD]  }
0x28: {  	s2 =	sld [smem:$0x3FAE]  }
0x29: {  	s4 =	sld [smem:$0x3FB0]  }
0x2a: {  	p0 =	seq.s32 s5, $0x0;
	s5 =	sld [smem:$0x3FB1]  }
0x2b: {  	s6 =	sld [smem:$0x3FB2]  }
0x2c: {  	s7 =	sld [smem:$0x3FB3]  }
0x2d: {  	s3 =	simm.s32 $0x108;
	s8 =	sld [smem:$0x3FB4]  }
0x2e: {  	s3 =	simm.s32 @!p0 $0x1082;
	s9 =	sld [smem:$0x3FB5]  }
0x2f: {  	lr =	sadd.s32 s0, s3;
	s0 =	sld [smem:$0x3FAC]  }
0x30: {  	s3 =	sld [smem:$0x3FAF]  }
0x31: {  	[smem:$0x3FB8] =	sst s10  }
0x32: {  	s10 =	sld [smem:$0x3FB6];
	_ =	sdelay $0x3  }
0x33: {  	p0 =	seq.s32 s10, $0x1;
	s10 =	sld [smem:$0x3FB8];
	_ =	sdelay $0x3  }
0x34: {  	[smem:$0x3FB8] =	sst s10  }
0x35: {  	s10 =	sld [smem:$0x3FB7];
	_ =	sdelay $0x3  }
0x36: {  	p1 =	seq.s32 s10, $0x1;
	s10 =	sld [smem:$0x3FB8];
	_ =	sdelay $0x3  }
0x37: {  	[smem:$0x3FB8] =	sst s10  }
0x38: {  	s10 =	sld [smem:$0x3FB9]  }
0x39: {  	_ = 	snop;
	(pc) =	sbr.ind lr, $3  }
0x3a: {  	_ = 	snop  }
0x3b: {  	_ = 	snop  }
0x3c: {  	p2 =	seq.s32 s10, $0x1;
	s10 =	sld [smem:$0x3FB8]  }
0x3d: {  	_ =	shalt  }
0x3e: {  	_ =	shalt  }
0x3f: {  	_ =	shalt  }
0x40: {  	_ =	shalt  }
0x41: {  	_ =	shalt  }
0x42: {  	_ =	shalt  }
0x43: {  	_ =	shalt  }
0x44: {  	_ =	shalt  }
0x45: {  	_ =	shalt  }
0x46: {  	_ =	shalt  }
0x47: {  	_ =	shalt  }
0x48: {  	_ =	shalt  }
0x49: {  	_ =	shalt  }
0x4a: {  	_ =	shalt  }
0x4b: {  	_ =	shalt  }
0x4c: {  	_ =	shalt  }
0x4d: {  	_ =	shalt  }
0x4e: {  	_ =	shalt  }
0x4f: {  	_ =	shalt  }
0x50: {  	_ =	shalt  }
0x51: {  	_ =	shalt  }
0x52: {  	_ =	shalt  }
0x53: {  	_ =	shalt  }
0x54: {  	_ =	shalt  }
0x55: {  	_ =	shalt  }
0x56: {  	_ =	shalt  }
0x57: {  	_ =	shalt  }
0x58: {  	_ =	shalt  }
0x59: {  	_ =	shalt  }
0x5a: {  	_ =	shalt  }
0x5b: {  	_ =	shalt  }
0x5c: {  	_ =	shalt  }
0x5d: {  	_ =	shalt  }
0x5e: {  	_ =	shalt  }
0x5f: {  	_ =	shalt  }
0x60: {  	_ =	shalt  }
0x61: {  	_ =	shalt  }
0x62: {  	_ =	shalt  }
0x63: {  	_ =	shalt  }
0x64: {  	_ =	shalt  }
0x65: {  	_ =	shalt  }
0x66: {  	_ =	shalt  }
0x67: {  	_ =	shalt  }
0x68: {  	_ =	shalt  }
0x69: {  	_ =	shalt  }
0x6a: {  	_ =	shalt  }
0x6b: {  	_ =	shalt  }
0x6c: {  	_ =	shalt  }
0x6d: {  	_ =	shalt  }
0x6e: {  	_ =	shalt  }
0x6f: {  	_ =	shalt  }
0x70: {  	_ =	shalt  }
0x71: {  	_ =	shalt  }
0x72: {  	_ =	shalt  }
0x73: {  	_ =	shalt  }
0x74: {  	_ =	shalt  }
0x75: {  	_ =	shalt  }
0x76: {  	_ =	shalt  }
0x77: {  	_ =	shalt  }
0x78: {  	_ =	shalt  }
0x79: {  	_ =	shalt  }
0x7a: {  	_ =	shalt  }
0x7b: {  	_ =	shalt  }
0x7c: {  	_ =	shalt  }
0x7d: {  	_ =	shalt  }
0x7e: {  	_ =	shalt  }
0x7f: {  	_ =	shalt  }
0x80: {  	_ =	shalt  }
0x81: {  	_ =	shalt  }
0x82: {  	_ =	shalt  }
0x83: {  	_ =	shalt  }
0x84: {  	_ =	shalt  }
0x85: {  	_ =	shalt  }
0x86: {  	_ =	shalt  }
0x87: {  	_ =	shalt  }
.Lfunc_end0:
.L_simem_size_0:
called_computation_lowered:
.L_overlay_start_0:
0x88: {  	s0 =	sld [smem:$0x3FD9]  }
0x89: {  	s1 =	sld [smem:$0x3FFE];
	_ =	sdelay $0x3  }
0x8a: {  	s0 =	sadd.s32 s1, s0  }
0x8b: {  	[smem:$0x3FC4] =	sst s0  }
0x8c: {  	_ = 	snop  }
0x8d: {  	s0 =	sld [smem:$0x3FC9]  }
0x8e: {  	s17 =	sld [smem:$0x3FC8]  }
0x8f: {  	s2 =	sld [smem:$0x3FC7]  }
0x90: {  	s3 =	sld [smem:$0x3FC6]  }
0x91: {  	s4 =	sld [smem:$0x3FD0];
	(tm) =	ssettm $0x1  }
0x92: {  	s5 =	sld [smem:$0x3FFB];
	_ =	sdelay $0x3  }
0x93: {  	_ =	strace s5  }
0x94: {  	s5 =	sld [smem:$0x3FFC];
	_ =	sdelay $0x3  }
0x95: {  	_ =	strace s5  }
0x96: {  	s5 =	sld [smem:$0x3FFD];
	_ =	sdelay $0x3  }
0x97: {  	_ =	strace s5  }
0x98: {  	_ =	strace $0x8FFFFFFF  }
0x99: {  	s18 =	sld [smem:$0x3FDB];
	_ =	sdelay $0x1  }
0x9a: {  	s6 =	simm.s32 $_scs_section_size  }
0x9b: {  	s7 =	simm.s32 $_size__tile_overlayer_lowered;
	s8 =	simm.s32 $_tile_overlayer_lowered  }
0x9c: {  	s21 =	simm.s32 $0x1BFF;
	s20 =	sshll.u32 s8, $0x1;
	s5 =	sadd.s32 s6, s18  }
0x9d: {  	s9 =	simm.s32 $0x0;
	s19 =	sshll.u32 s7, $0x1;
	s7 =	sadd.s32 s20, s5  }
0x9e: {  	[timem:s9], [sflag:s21] =	dma.local [hbm:s7], s19  }
0x9f: {  	_ =	swait.ge [sflag:s21], s19  }
0xa0: {  	s6 =	ssub.s32 $0x0, s19;
	[sflag:s21] =	ssyncset.done $0x0  }
0xa1: {  	[sflag:s21] =	ssyncadd.s32 s6;
	_ =	sdelay $0x1  }
0xa2: {  	s22 =	simm.s32 $0x1B8B  }
0xa3: {  	_ =	swait.ge [sflag:s22], $0x1  }
0xa4: {  	[sflag:s22] =	ssyncset.done $0x0  }
0xa5: {  	s23 =	simm.s32 $0x1B8E;
	[sflag:s22] =	ssyncadd.s32 $0xFFFFFFFF  }
0xa6: {  	s24 =	simm.s32 $execute0_lowered;
	[smem:$0x3FD2] =	sst s23  }
0xa7: {  	s6 =	sshll.u32 s24, $0x1;
	_ =	strace $0x80000046;
	[dreg:$0x1] =	wrdreg $0xFFFFFFFF  }
0xa8: {  	s25 =	simm.s32 $_size_execute0_lowered;
	s5 =	sadd.s32 s5, s6;
	[dreg:$0x0] =	wrdreg $0x0  }
0xa9: {  	s6 =	sshll.u32 s25, $0x1;
	[dreg:$0x2] =	wrdreg s5  }
0xaa: {  	[dreg:$0x3] =	wrdreg s6  }
0xab: {  	[dreg:$0x4] =	wrdreg $0xC0  }
0xac: {  	_ =	task [dreg:s9], $0x5FFFF  }
0xad: {  	[dreg:$0x1] =	wrdreg $0xFFFFFFFF  }
0xae: {  	[dreg:$0x0] =	wrdreg $0x60  }
0xaf: {  	[dreg:$0x2] =	wrdreg s0  }
0xb0: {  	[dreg:$0x3] =	wrdreg s17  }
0xb1: {  	[dreg:$0x4] =	wrdreg s2  }
0xb2: {  	[dreg:$0x5] =	wrdreg s3  }
0xb3: {  	[dreg:$0x6] =	wrdreg s4  }
0xb4: {  	[dreg:$0x7] =	wrdreg $0x9  }
0xb5: {  	_ =	task.clear_ibuf [dreg:s9], $0x8FFFF;
	_ =	strace $0x90000046  }
0xb6: {  	s26 =	simm.s32 $0x9;
	_ =	strace $0x80000048  }
0xb7: {  	_ =	swait.ge [sflag:s26], $0x1  }
0xb8: {  	[sflag:s26] =	ssyncadd.s32 $0xFFFFFFFF  }
0xb9: {  	_ =	strace $0x90000048  }
0xba: {  	_ =	sfence  }
0xbb: {  	s28 =	sld [smem:$0x0];
	_ =	sdelay $0x1  }
0xbc: {  	s29 =	srdreg.scid  }
0xbd: {  	s30 =	sshll.u32 s29, $0xD;
	s31 =	sshrl.u32 s29, $0x2  }
0xbe: {  	s1 =	sand.u32 $0x1, s29;
	s2 =	sand.u32 $0x4000, s30;
	s0 =	sadd.s32 s31, s28  }
0xbf: {  	s1 =	sor.u32 s2, s1;
	s0 =	sshll.u32 s0, $0x11  }
0xc0: {  	s0 =	sor.u32 s0, s1  }
0xc1: {  	s0 =	sadd.s32 $0x8F2B, s0  }
0xc2: {  	[sflag:s0] =	ssyncadd.remote.s32 $0x1  }
0xc3: {  	_ =	sfence.sel $0xFFFF  }
0xc4: {  	[dreg:$0x0] =	wrdreg $0xFFFFFFFF;
	(pc) =	sbr.abs _section_cstart, $3  }
0xc5: {  	[dreg:$0x1] =	wrdreg $0xFFFFFFFF  }
0xc6: {  	_ =	task.clear_ibuf [dreg:s9], $0x2FFFF;
	_ =	strace $0x9FFFFFFF  }
0xc7: {  	(tm) =	ssettm $0x7FFFFFFF  }
tec
execute0_lowered:
.L_overlay_start_1:
0x0: {  	(tag) =	ssettag $0x1  }
0x1: {  	s7 =	rddreg [dreg:$0x0];
	s1 =	stileid.u32  }
0x2: {  	s8 =	rddreg [dreg:$0x1];
	p0 =	sgt.u32 s1, $0x3  }
.Ltmp0:
0x3: {  	s5 =	rddreg [dreg:$0x2];
	(pc) =	sbr.rel @p0 .LBB2_4-.Ltmp0, $4  }
0x4: {  	s3 =	rddreg [dreg:$0x3]  }
0x5: {  	s2 =	rddreg [dreg:$0x4];
	s6 =	simm.s32 $0x0  }
0x6: {  	[smem:$0x7FF] =	sst s6  }
0x7: {  	s0 =	rddreg [dreg:$0x5];
	_ =	strace $0x80000047  }
0x8: {  	s4 =	sshll.u32 s1, $0x9  }
0x9: {  	[tilespmem:s6], [sflag:$0x1] =	stream.linear.gather [hbm4b:s8+s6], $0x1, $0x38;
	[tilespmem:$0x2180] =	vst v63  }
0xa: {  	s22 =	simm.s32 $0x180;
	s23 =	simm.s32 $0x1;
	s7 =	sadd.s32 s7, s4  }
0xb: {  	[tilespmem:s22], [sflag:$0x2] =	stream.linear.gather [hbm4b:s7+s6], $0x1000, $0x38;
	[tilespmem:$0x2180] =	vst v63  }
0xc: {  	_ =	swait.ge [sflag:s23], $0x1  }
0xd: {  	[sflag:s23] =	ssyncset.done $0x0  }
0xe: {  	s24 =	simm.s32 $0x80;
	[sflag:s23] =	ssyncadd.s32 $0xFFFFFFFF  }
0xf: {  	[tilespmem:s24], [sflag:$0x1] =	stream.indirect.gather [hbm4b:s5+s23], $0x1, s6, s23, $0xb8;
	[tilespmem:$0x2180] =	vst v63  }
0x10: {  	s25 =	simm.s32 $0x100  }
0x11: {  	[tilespmem:s25], [sflag:$0x1] =	stream.indirect.gather [hbm4b:s3+s23], $0x1, s6, s23, $0xb8;
	[tilespmem:$0x2180] =	vst v63  }
0x12: {  	_ =	swait.ge [sflag:s23], $0x1  }
0x13: {  	[sflag:s23] =	ssyncset.done $0x0  }
0x14: {  	[sflag:s23] =	ssyncadd.s32 $0xFFFFFFFF  }
0x15: {  	_ =	swait.ge [sflag:s23], $0x1  }
0x16: {  	[sflag:s23] =	ssyncset.done $0x0  }
0x17: {  	[sflag:s23] =	ssyncadd.s32 $0xFFFFFFFF  }
0x18: {  	v0 =	vld [tilespmem:$0x80]  }
0x19: {  	v1 =	vld [tilespmem:$0x100];
	_ =	sdelay $0x3  }
0x1a: {  	(v2sf) =	vpush v0, $0x0  }
0x1b: {  	(v2sf) =	vpush v1, $0x0;
	_ =	sdelay $0xd  }
0x1c: {  	s26 =	spop (v2sf)  }
0x1d: {  	s29 =	simm.s32 $0x2;
	s28 =	spop (v2sf)  }
0x1e: {  	_ =	swait.ge [sflag:s29], $0x1000  }
0x1f: {  	[sflag:s29] =	ssyncset.done $0x0  }
0x20: {  	s30 =	simm.s32 $0x200;
	[sflag:s29] =	ssyncadd.s32 $0xFFFFF000  }
0x21: {  	v0 =	vld [tilespmem:s30+$0xFFFFFF90]  }
0x22: {  	v2 =	vld [tilespmem:s30+$0x60]  }
0x23: {  	v3 =	vld [tilespmem:s30+$0x50]  }
0x24: {  	v4 =	vld [tilespmem:s30+$0x40]  }
0x25: {  	v5 =	vld [tilespmem:s30+$0x30]  }
0x26: {  	v6 =	vld [tilespmem:s30+$0x20]  }
0x27: {  	s5 =	ssub.f32 $0.0e+00, s28;
	v7 =	vld [tilespmem:s30+$0x70]  }
0x28: {  	v9 =	vld [tilespmem:s30+$0xFFFFFF80]  }
0x29: {  	v1 =	vmov s5;
	v10 =	vld [tilespmem:s30+$0x10]  }
0x2a: {  	v11 =	vld [tilespmem:s30+$0xFFFFFFF0];
	v8 =	vmul.f32 v0, v1  }
0x2b: {  	s3 =	ssub.f32 $0.0e+00, s26;
	v3 =	vmul.f32 v3, v1;
	v4 =	vmul.f32 v4, v1  }
0x2c: {  	v2 =	vmul.f32 v2, v1;
	v5 =	vmul.f32 v5, v1  }
0x2d: {  	v0 =	vmov s3;
	v6 =	vmul.f32 v6, v1;
	v7 =	vmul.f32 v7, v1  }
0x2e: {  	v13 =	vld [tilespmem:s30+$0xFFFFFFD0];
	v10 =	vmul.f32 v10, v1;
	v9 =	vmul.f32 v9, v1;
	v3 =	vadd.f32 v3, v0  }
0x2f: {  	v16 =	vld [tilespmem:s30+$0xFFFFFFE0];
	v11 =	vmul.f32 v11, v1;
	v4 =	vadd.f32 v4, v0;
	v2 =	vadd.f32 v2, v0  }
0x30: {  	v12 =	vld [tilespmem:s30+$0x0];
	v5 =	vadd.f32 v5, v0;
	v6 =	vadd.f32 v6, v0;
	v3 =	vmul.f32 $1.442695020e+00, v3  }
0x31: {  	v14 =	vld [tilespmem:s30+$0xFFFFFFC0];
	v7 =	vadd.f32 v7, v0;
	v4 =	vmul.f32 $1.442695020e+00, v4;
	v2 =	vmul.f32 $1.442695020e+00, v2  }
0x32: {  	v15 =	vld [tilespmem:s30+$0xFFFFFFA0];
	v5 =	vmul.f32 $1.442695020e+00, v5;
	v6 =	vmul.f32 $1.442695020e+00, v6  }
0x33: {  	v10 =	vadd.f32 v10, v0;
	v7 =	vmul.f32 $1.442695020e+00, v7;
	(erf) = vpow2.f32 v3  }
0x34: {  	v17 =	vld [tilespmem:s30+$0xFFFFFFB0];
	v3 =	vadd.f32 v8, v0;
	v8 =	vmul.f32 v13, v1;
	v13 =	vmul.f32 v16, v1  }
0x35: {  	(erf) = vpow2.f32 v4;
	v4 =	vadd.f32 v9, v0;
	v9 =	vmul.f32 $1.442695020e+00, v10  }
0x36: {  	s31 =	simm.s32 $0x300;
	v10 =	vmul.f32 v12, v1;
	v12 =	vmul.f32 v14, v1  }
0x37: {  	v11 =	vadd.f32 v11, v0;
	v14 =	vld [tilespmem:s31+$0xFFFFFF90];
	(erf) = vpow2.f32 v6;
	v6 =	vmul.f32 v15, v1  }
0x38: {  	v8 =	vadd.f32 v8, v0;
	(erf) = vpow2.f32 v2;
	v2 =	vadd.f32 v13, v0  }
0x39: {  	v15 =	vmul.f32 v17, v1;
	v3 =	vmul.f32 $1.442695020e+00, v3;
	v6 =	vadd.f32 v6, v0  }
0x3a: {  	v17 =	vmul.f32 $1.442695020e+00, v2;
	v2 =	vadd.f32 v10, v0;
	v10 =	vadd.f32 v12, v0;
	v12 =	vld [tilespmem:s31+$0x40]  }
0x3b: {  	v13 =	vadd.f32 v15, v0;
	v15 =	vmul.f32 $1.442695020e+00, v6;
	v6 =	vmul.f32 $1.442695020e+00, v11;
	v11 =	vld [tilespmem:s31+$0x20]  }
0x3c: {  	v16 =	vld [tilespmem:s31+$0x50];
	v4 =	vmul.f32 $1.442695020e+00, v4;
	v14 =	vmul.f32 v14, v1  }
0x3d: {  	v8 =	vmul.f32 $1.442695020e+00, v8;
	(erf) = vpow2.f32 v5  }
0x3e: {  	v13 =	vmul.f32 $1.442695020e+00, v13;
	v21 =	vmul.f32 $1.442695020e+00, v10;
	v10 =	vld [tilespmem:s31+$0x30];
	v5 =	vpop (erf)  }
0x3f: {  	v18 =	vld [tilespmem:s31+$0x60];
	v20 =	vmul.f32 $1.442695020e+00, v2;
	v19 =	vpop (erf);
	v12 =	vmul.f32 v12, v1  }
0x40: {  	v2 =	vadd.f32 v14, v0;
	v14 =	vpop (erf);
	(erf) = vpow2.f32 v6;
	v6 =	vmul.f32 v11, v1  }
0x41: {  	v11 =	vadd.f32 $1.000000000e+00, v14;
	(erf) = vpow2.f32 v13;
	v13 =	vmul.f32 v16, v1  }
0x42: {  	v14 =	vadd.f32 $1.000000000e+00, v19;
	v12 =	vadd.f32 v12, v0;
	(erf) = vpow2.f32 v20  }
0x43: {  	v10 =	vmul.f32 v10, v1;
	v16 =	vadd.f32 v6, v0;
	v6 =	vld [tilespmem:s31+$0x70];
	(erf) = vrcp.f32 v11  }
0x44: {  	v11 =	vmul.f32 v18, v1;
	(erf) = vrcp.f32 v14  }
0x45: {  	v13 =	vadd.f32 v13, v0;
	v12 =	vmul.f32 $1.442695020e+00, v12;
	v14 =	vld [tilespmem:s31+$0x10];
	(erf) = vpow2.f32 v7  }
0x46: {  	v18 =	vld [tilespmem:s31+$0xFFFFFF80];
	v7 =	vadd.f32 v11, v0;
	v11 =	vadd.f32 v10, v0;
	(erf) = vpow2.f32 v3  }
0x47: {  	v20 =	vmul.f32 $1.442695020e+00, v13;
	v13 =	vld [tilespmem:s31+$0xFFFFFFF0];
	v3 =	vpop (erf);
	(erf) = vpow2.f32 v9  }
0x48: {  	v9 =	vpop (erf);
	v3 =	vadd.f32 $1.000000000e+00, v3;
	v6 =	vmul.f32 v6, v1;
	v10 =	vmul.f32 $1.442695020e+00, v7  }
0x49: {  	v7 =	vmul.f32 $1.442695020e+00, v11;
	(erf) = vpow2.f32 v8;
	v8 =	vpop (erf)  }
0x4a: {  	v22 =	vld [tilespmem:s31+$0xFFFFFFD0];
	v19 =	vadd.f32 $1.000000000e+00, v9;
	v14 =	vmul.f32 v14, v1;
	v11 =	vpop (erf);
	(erf) = vrcp.f32 v3  }
0x4b: {  	v3 =	vadd.f32 v6, v0;
	v9 =	vadd.f32 $1.000000000e+00, v8;
	v8 =	vmul.f32 v18, v1;
	v18 =	vld [tilespmem:s31+$0xFFFFFFA0]  }
0x4c: {  	v23 =	vld [tilespmem:s31+$0x0];
	v16 =	vmul.f32 $1.442695020e+00, v16;
	v26 =	vmul.f32 v13, v1;
	v6 =	vpop (erf);
	v24 =	vadd.f32 v14, v0  }
0x4d: {  	v25 =	vld [tilespmem:s31+$0xFFFFFFC0];
	(erf) = vpow2.f32 v15;
	v3 =	vmul.f32 $1.442695020e+00, v3;
	v15 =	vpop (erf)  }
0x4e: {  	(erf) = vpow2.f32 v4;
	v27 =	vpop (erf);
	v4 =	vmul.f32 $1.442695020e+00, v24  }
0x4f: {  	v14 =	vadd.f32 $1.000000000e+00, v5;
	(erf) = vrcp.f32 v19;
	v19 =	vmul.f32 v22, v1;
	v5 =	vpop (erf)  }
0x50: {  	v61 =	vld [tilespmem:s31+$0xFFFFFFB0];
	(erf) = vpow2.f32 v17;
	v22 =	vadd.f32 $1.000000000e+00, v5;
	v17 =	vmul.f32 v18, v1  }
0x51: {  	v28 =	vld [tilespmem:s31+$0xFFFFFFE0];
	(erf) = vpow2.f32 v21;
	v5 =	vadd.f32 v19, v0;
	v19 =	vmul.f32 v23, v1  }
0x52: {  	v8 =	vadd.f32 v8, v0;
	v13 =	vpop (erf);
	v23 =	vmul.f32 v25, v1;
	(erf) = vpow2.f32 v20  }
0x53: {  	s3 =	simm.s32 $0x1200;
	v18 =	vadd.f32 v26, v0;
	v62 =	vpop (erf);
	(erf) = vpow2.f32 v12;
	v5 =	vmul.f32 $1.442695020e+00, v5  }
0x54: {  	[tilespmem:s3+$0x20] =	vst v15;
	v20 =	vpop (erf);
	v63 =	vadd.f32 $1.000000000e+00, v62;
	v12 =	vadd.f32 v23, v0;
	(erf) = vrcp.f32 v22  }
0x55: {  	s2 =	sadd.s32 s2, s4;
	[tilespmem:s3+$0x40] =	vst v27;
	v17 =	vadd.f32 v17, v0;
	v22 =	vmul.f32 v61, v1;
	v15 =	vpop (erf);
	(erf) = vpow2.f32 v16  }
0x56: {  	s4 =	simm.s32 $0x1200;
	s6 =	simm.s32 $0x400;
	s5 =	simm.s32 $0x100;
	v21 =	vadd.f32 $1.000000000e+00, v20;
	[tilespmem:s3+$0x60] =	vst v15;
	v15 =	vmul.f32 v28, v1;
	v20 =	vpop (erf);
	(erf) = vrcp.f32 v63  }
.LBB2_2:
0x57: {  	v23 =	vld [tilespmem:s6+$0xFFFFFF90];
	s5 =	sadd.s32 $0x100, s5;
	v16 =	vmul.f32 $1.442695020e+00, v8;
	v8 =	vadd.f32 v22, v0;
	(erf) = vpow2.f32 v10;
	s3 =	sadd.s32 $0x100, s3;
	v10 =	vpop (erf)  }
0x58: {  	v11 =	vadd.f32 $1.000000000e+00, v11;
	v22 =	vld [tilespmem:s6+$0x60];
	p0 =	slt.u32 s5, $0xF00;
	v17 =	vmul.f32 $1.442695020e+00, v17;
	(erf) = vrcp.f32 v21;
	v21 =	vpop (erf)  }
0x59: {  	v25 =	vmul.f32 $1.442695020e+00, v18;
	v15 =	vadd.f32 v15, v0;
	v24 =	vld [tilespmem:s6+$0x50];
	[tilespmem:s4+$0x30] =	vst v21;
	v18 =	vpop (erf);
	(erf) = vrcp.f32 v9  }
0x5a: {  	v21 =	vmul.f32 $1.442695020e+00, v2;
	v2 =	vadd.f32 $1.000000000e+00, v10;
	v9 =	vld [tilespmem:s6+$0x20];
	v10 =	vadd.f32 $1.000000000e+00, v18;
	v26 =	vpop (erf)  }
0x5b: {  	v13 =	vadd.f32 $1.000000000e+00, v13;
	v18 =	vmul.f32 $1.442695020e+00, v15;
	v27 =	vld [tilespmem:s6+$0x40];
	(erf) = vpow2.f32 v7;
	v28 =	vpop (erf)  }
0x5c: {  	v31 =	vadd.f32 v19, v0;
	v7 =	vmul.f32 v23, v1;
	v15 =	vld [tilespmem:s6+$0xFFFFFFB0];
	v23 =	vpop (erf);
	(erf) = vrcp.f32 v2  }
0x5d: {  	v20 =	vadd.f32 $1.000000000e+00, v20;
	v8 =	vmul.f32 $1.442695020e+00, v8;
	v29 =	vld [tilespmem:s6+$0xFFFFFFF0];
	(erf) = vrcp.f32 v14;
	v14 =	vpop (erf)  }
0x5e: {  	v2 =	vadd.f32 v7, v0;
	v30 =	vld [tilespmem:s6+$0x0];
	v7 =	vmul.f32 $1.442695020e+00, v31;
	v19 =	vpop (erf);
	[tilespmem:s4+$0x70] =	vst v14;
	(erf) = vrcp.f32 v10  }
0x5f: {  	v12 =	vmul.f32 $1.442695020e+00, v12;
	v6 =	vadd.f32 $1.000000000e+00, v6;
	v31 =	vld [tilespmem:s6+$0xFFFFFFD0];
	(erf) = vrcp.f32 v11;
	v10 =	vpop (erf)  }
0x60: {  	v23 =	vadd.f32 $1.000000000e+00, v23;
	v14 =	vmul.f32 v24, v1;
	v11 =	vld [tilespmem:s6+$0x30];
	(erf) = vpow2.f32 v25;
	v24 =	vpop (erf);
	[tilespmem:s4+$0x10] =	vst v10  }
0x61: {  	v26 =	vadd.f32 $1.000000000e+00, v26;
	v9 =	vmul.f32 v9, v1;
	v25 =	vld [tilespmem:s6+$0xFFFFFFC0];
	(erf) = vrcp.f32 v20;
	v10 =	vpop (erf)  }
0x62: {  	v19 =	vadd.f32 $1.000000000e+00, v19;
	v27 =	vmul.f32 v27, v1;
	v20 =	vld [tilespmem:s6+$0xFFFFFF80];
	(erf) = vpow2.f32 v8;
	[tilespmem:s4+$0xFFFFFFD0] =	vst v10;
	v8 =	vpop (erf)  }
0x63: {  	v32 =	vadd.f32 v9, v0;
	v9 =	vmul.f32 v22, v1;
	(erf) = vpow2.f32 v7;
	[tilespmem:s4+$0xFFFFFFF0] =	vst v8  }
0x64: {  	v33 =	vadd.f32 v14, v0;
	v7 =	vadd.f32 v27, v0;
	v10 =	vpop (erf);
	(erf) = vrcp.f32 v6  }
0x65: {  	v9 =	vadd.f32 v9, v0;
	v6 =	vmul.f32 v11, v1;
	v11 =	vld [tilespmem:s6+$0x70];
	(erf) = vrcp.f32 v19;
	v14 =	vpop (erf)  }
0x66: {  	v22 =	vmul.f32 $1.442695020e+00, v33;
	v27 =	vadd.f32 $1.000000000e+00, v10;
	v19 =	vld [tilespmem:s6+$0x10];
	(erf) = vrcp.f32 v23;
	[tilespmem:s4+$0xFFFFFF80] =	vst v14;
	v8 =	vpop (erf)  }
0x67: {  	v23 =	vmul.f32 $1.442695020e+00, v7;
	v33 =	vadd.f32 v6, v0;
	(erf) = vpow2.f32 v3;
	[tilespmem:s4+$0x50] =	vst v8;
	v3 =	vpop (erf)  }
0x68: {  	v10 =	vmul.f32 $1.442695020e+00, v9;
	v8 =	vadd.f32 $1.000000000e+00, v24;
	(erf) = vpow2.f32 v21;
	v14 =	vpop (erf)  }
0x69: {  	v7 =	vmul.f32 $1.442695020e+00, v33;
	v6 =	vpop (erf);
	(erf) = vpow2.f32 v4;
	[tilespmem:s4+$0xFFFFFFE0] =	vst v3  }
0x6a: {  	v3 =	vmul.f32 v11, v1;
	v9 =	vadd.f32 $1.000000000e+00, v6;
	(erf) = vpow2.f32 v5;
	v4 =	vpop (erf)  }
0x6b: {  	v5 =	vmul.f32 v19, v1;
	v11 =	vpop (erf);
	(erf) = vrcp.f32 v8;
	[tilespmem:s4+$0xFFFFFFA0] =	vst v4  }
0x6c: {  	v21 =	vmul.f32 v20, v1;
	v3 =	vadd.f32 v3, v0;
	v6 =	vpop (erf);
	[tilespmem:s4+$0xFFFFFFB0] =	vst v14;
	(erf) = vrcp.f32 v13  }
0x6d: {  	v20 =	vmul.f32 $1.442695020e+00, v32;
	v19 =	vld [tilespmem:s6+$0xFFFFFFA0];
	v24 =	vadd.f32 v5, v0;
	(erf) = vrcp.f32 v26;
	v13 =	vpop (erf)  }
0x6e: {  	v8 =	vadd.f32 v21, v0;
	v3 =	vmul.f32 $1.442695020e+00, v3;
	(erf) = vpow2.f32 v17;
	v4 =	vpop (erf);
	[tilespmem:s4+$0x0] =	vst v13  }
0x6f: {  	v14 =	vadd.f32 $1.000000000e+00, v28;
	v17 =	vmul.f32 v29, v1;
	[tilespmem:s3+$0x20] =	vst v4;
	(erf) = vpow2.f32 v16;
	v13 =	vpop (erf)  }
0x70: {  	v4 =	vmul.f32 $1.442695020e+00, v24;
	[tilespmem:s3+$0x40] =	vst v13;
	(erf) = vrcp.f32 v27;
	v5 =	vpop (erf)  }
0x71: {  	v21 =	vmul.f32 v31, v1;
	v24 =	vadd.f32 $1.000000000e+00, v5;
	v13 =	vpop (erf);
	(erf) = vpow2.f32 v18  }
0x72: {  	v18 =	vadd.f32 v17, v0;
	v26 =	vmul.f32 v19, v1;
	v27 =	vld [tilespmem:s6+$0xFFFFFFE0];
	(erf) = vpow2.f32 v12;
	v12 =	vpop (erf)  }
.Ltmp1:
0x73: {  	v5 =	vadd.f32 v21, v0;
	v19 =	vmul.f32 v30, v1;
	(erf) = vpow2.f32 v22;
	v16 =	vpop (erf);
	(pc) =	sbr.rel @p0 .LBB2_2-.Ltmp1, $4  }
0x74: {  	v17 =	vmul.f32 v25, v1;
	(erf) = vpow2.f32 v23;
	v21 =	vadd.f32 $1.000000000e+00, v16;
	v16 =	vpop (erf)  }
0x75: {  	v5 =	vmul.f32 $1.442695020e+00, v5;
	v23 =	vadd.f32 $1.000000000e+00, v12;
	[tilespmem:s3+$0x60] =	vst v16;
	(erf) = vrcp.f32 v24;
	v16 =	vpop (erf)  }
0x76: {  	v22 =	vmul.f32 v15, v1;
	v12 =	vadd.f32 v17, v0;
	(erf) = vpow2.f32 v20;
	[tilespmem:s4+$0xFFFFFF90] =	vst v16;
	v16 =	vpop (erf)  }
0x77: {  	s6 =	sadd.s32 $0x100, s6;
	v17 =	vadd.f32 v26, v0;
	v15 =	vmul.f32 v27, v1;
	v20 =	vpop (erf);
	(erf) = vrcp.f32 v23;
	[tilespmem:s4+$0xFFFFFFC0] =	vst v16;
	s4 =	smov.u32 s3  }
0x78: {  	(erf) = vpow2.f32 v10;
	v1 =	vpop (erf)  }
0x79: {  	(erf) = vrcp.f32 v21;
	v51 =	vpop (erf)  }
0x7a: {  	v1 =	vadd.f32 $1.000000000e+00, v1;
	(erf) = vrcp.f32 v9;
	v52 =	vpop (erf)  }
0x7b: {  	(erf) = vpow2.f32 v7;
	v53 =	vpop (erf)  }
0x7c: {  	v9 =	vadd.f32 $1.000000000e+00, v52;
	(erf) = vrcp.f32 v1;
	v54 =	vpop (erf)  }
0x7d: {  	v11 =	vadd.f32 $1.000000000e+00, v11;
	(erf) = vrcp.f32 v14;
	v55 =	vpop (erf)  }
0x7e: {  	v16 =	vadd.f32 v22, v0;
	v18 =	vmul.f32 $1.442695020e+00, v18;
	(erf) = vrcp.f32 v9;
	v56 =	vpop (erf)  }
0x7f: {  	v19 =	vadd.f32 v19, v0;
	v20 =	vadd.f32 $1.000000000e+00, v20;
	(erf) = vrcp.f32 v11;
	v57 =	vpop (erf)  }
0x80: {  	v16 =	vmul.f32 $1.442695020e+00, v16;
	(erf) = vpow2.f32 v18;
	v58 =	vpop (erf)  }
0x81: {  	v19 =	vmul.f32 $1.442695020e+00, v19;
	(erf) = vrcp.f32 v20;
	v59 =	vpop (erf)  }
0x82: {  	v6 =	vadd.f32 $1.000000000e+00, v6;
	(erf) = vpow2.f32 v16;
	v60 =	vpop (erf)  }
0x83: {  	v11 =	vadd.f32 $1.000000000e+00, v57;
	(erf) = vpow2.f32 v19;
	v61 =	vpop (erf)  }
0x84: {  	v14 =	vadd.f32 $1.000000000e+00, v55;
	(erf) = vrcp.f32 v6;
	v62 =	vpop (erf)  }
0x85: {  	(erf) = vrcp.f32 v11;
	v63 =	vpop (erf)  }
0x86: {  	v2 =	vmul.f32 $1.442695020e+00, v2;
	(erf) = vrcp.f32 v14;
	v24 =	vpop (erf)  }
0x87: {  	(erf) = vpow2.f32 v3;
	v25 =	vpop (erf)  }
0x88: {  	(erf) = vpow2.f32 v2;
	v26 =	vpop (erf)  }
0x89: {  	v20 =	vadd.f32 $1.000000000e+00, v59;
	(erf) = vpow2.f32 v4;
	v27 =	vpop (erf)  }
0x8a: {  	v13 =	vadd.f32 $1.000000000e+00, v13;
	(erf) = vpow2.f32 v5;
	v28 =	vpop (erf)  }
0x8b: {  	v7 =	vadd.f32 $1.000000000e+00, v53;
	(erf) = vrcp.f32 v20;
	v29 =	vpop (erf)  }
0x8c: {  	v17 =	vmul.f32 $1.442695020e+00, v17;
	(erf) = vrcp.f32 v13;
	v30 =	vpop (erf)  }
0x8d: {  	v8 =	vmul.f32 $1.442695020e+00, v8;
	v31 =	vadd.f32 v15, v0;
	(erf) = vrcp.f32 v7;
	v32 =	vpop (erf)  }
0x8e: {  	v6 =	vadd.f32 $1.000000000e+00, v62;
	(erf) = vpow2.f32 v17;
	v33 =	vpop (erf)  }
0x8f: {  	v0 =	vmul.f32 $1.442695020e+00, v31;
	(erf) = vpow2.f32 v8;
	v34 =	vpop (erf)  }
0x90: {  	[tilespmem:s4+$0x30] =	vst v51;
	(erf) = vrcp.f32 v6;
	v35 =	vpop (erf)  }
0x91: {  	[tilespmem:s4+$0x70] =	vst v56;
	v36 =	vpop (erf);
	(erf) = vpow2.f32 v0  }
0x92: {  	[tilespmem:s4+$0x10] =	vst v58;
	v37 =	vpop (erf)  }
0x93: {  	v12 =	vmul.f32 $1.442695020e+00, v12;
	[tilespmem:s4+$0xFFFFFFD0] =	vst v60;
	v38 =	vpop (erf)  }
0x94: {  	[tilespmem:s4+$0xFFFFFFF0] =	vst v61;
	v6 =	vadd.f32 $1.000000000e+00, v35;
	v39 =	vpop (erf)  }
0x95: {  	[tilespmem:s4+$0xFFFFFF80] =	vst v63;
	(erf) = vpow2.f32 v12;
	v0 =	vadd.f32 $1.000000000e+00, v37;
	v40 =	vpop (erf)  }
0x96: {  	[tilespmem:s4+$0x50] =	vst v24;
	v9 =	vadd.f32 $1.000000000e+00, v38;
	v41 =	vpop (erf);
	(erf) = vrcp.f32 v6  }
0x97: {  	[tilespmem:s4+$0xFFFFFFE0] =	vst v25;
	v43 =	vadd.f32 $1.000000000e+00, v27;
	v42 =	vpop (erf);
	(erf) = vrcp.f32 v0  }
0x98: {  	[tilespmem:s4+$0xFFFFFFB0] =	vst v26;
	v44 =	vpop (erf);
	(erf) = vrcp.f32 v9  }
0x99: {  	[tilespmem:s4+$0xFFFFFFA0] =	vst v28;
	v45 =	vpop (erf);
	v0 =	vadd.f32 $1.000000000e+00, v44;
	(erf) = vrcp.f32 v43  }
0x9a: {  	s3 =	sadd.s32 $0x100, s3;
	v1 =	vadd.f32 $1.000000000e+00, v54;
	[tilespmem:s4+$0x0] =	vst v32;
	v46 =	vpop (erf)  }
0x9b: {  	[tilespmem:s3+$0x20] =	vst v33;
	v2 =	vadd.f32 $1.000000000e+00, v46;
	(erf) = vrcp.f32 v0  }
0x9c: {  	v47 =	vadd.f32 $1.000000000e+00, v29;
	[tilespmem:s3+$0x40] =	vst v34;
	(erf) = vrcp.f32 v1  }
0x9d: {  	[tilespmem:s3+$0x60] =	vst v39;
	v48 =	vadd.f32 $1.000000000e+00, v42;
	(erf) = vrcp.f32 v2  }
0x9e: {  	v50 =	vadd.f32 $1.000000000e+00, v30;
	[tilespmem:s4+$0xFFFFFF90] =	vst v40;
	v49 =	vpop (erf);
	(erf) = vrcp.f32 v47  }
0x9f: {  	v51 =	vadd.f32 $1.000000000e+00, v36;
	[tilespmem:s4+$0xFFFFFFC0] =	vst v41;
	(erf) = vrcp.f32 v48;
	v52 =	vpop (erf)  }
0xa0: {  	[tilespmem:s3+$0x30] =	vst v45;
	v0 =	vadd.f32 $1.000000000e+00, v49;
	v53 =	vpop (erf);
	(erf) = vrcp.f32 v50  }
0xa1: {  	[tilespmem:s3+$0x70] =	vst v52;
	v54 =	vpop (erf);
	(erf) = vrcp.f32 v51  }
0xa2: {  	[tilespmem:s3+$0x10] =	vst v53;
	v55 =	vpop (erf);
	(erf) = vrcp.f32 v0  }
0xa3: {  	[tilespmem:s3+$0xFFFFFFD0] =	vst v54  }
0xa4: {  	[tilespmem:s3+$0xFFFFFFF0] =	vst v55;
	v56 =	vpop (erf)  }
0xa5: {  	v57 =	vpop (erf);
	[tilespmem:s3+$0xFFFFFF80] =	vst v56  }
0xa6: {  	v58 =	vpop (erf);
	[tilespmem:s3+$0x50] =	vst v57  }
0xa7: {  	v59 =	vpop (erf);
	[tilespmem:s3+$0xFFFFFFE0] =	vst v58  }
0xa8: {  	v60 =	vpop (erf);
	[tilespmem:s3+$0xFFFFFFB0] =	vst v59  }
0xa9: {  	[tilespmem:s3+$0xFFFFFFA0] =	vst v60;
	v61 =	vpop (erf)  }
0xaa: {  	[tilespmem:s3+$0x0] =	vst v61;
	v62 =	vpop (erf)  }
0xab: {  	[tilespmem:s3+$0xFFFFFF90] =	vst v62;
	v63 =	vpop (erf)  }
0xac: {  	s29 =	simm.s32 $0x0;
	s30 =	simm.s32 $0x1180;
	s31 =	simm.s32 $0x3;
	[tilespmem:s3+$0xFFFFFFC0] =	vst v63  }
0xad: {  	[hbm4b:s2+s29] =	stream.linear.scatter [tilespmem:s30], [sflag:$0x3], $0x1000, $0x38;
	[tilespmem:$0x2180] =	vst v63  }
0xae: {  	_ =	swait.ge [sflag:s31], $0x1000  }
0xaf: {  	[sflag:s31] =	ssyncset.done $0x0  }
0xb0: {  	[sflag:s31] =	ssyncadd.s32 $0xFFFFF000  }
.LBB2_4:
0xb1: {  	_ =	sfence.sel $0x180000  }
0xb2: {  	[bflag:$0x0] =	sbarrier.arrive $0xFFFF  }
0xb3: {  	p0 =	sne.s32 s1, $0x0;
	_ =	strace $0x90000047  }
0xb4: {  	s0 =	sadd.s32 @!p0 $0x100000, s0;
	[bflag:$0x2] =	sbarrier.arrive $0xFFFF  }
0xb5: {  	[sflag:s0] =	ssyncadd.tile.s32 @!p0 $0x1;
	_ =	shalt  }
.Lfunc_end2:
_tile_overlayer_lowered:
.L_overlay_start_2:
0xb6: {  	(tag) =	ssettag $0x2  }
0xb7: {  	s0 =	rddreg [dreg:$0x0];
	s2 =	stileid.u32  }
0xb8: {  	s1 =	rddreg [dreg:$0x1];
	p0 =	sne.s32 s2, $0x0  }
0xb9: {  	s3 =	rddreg [dreg:$0x2];
	[bflag:$0x3] =	sbarrier.arrive $0xFFFF;
	s2 =	simm.s32 @!p0 $0x1C03  }
0xba: {  	[timem:s3], [sflag:s2] =	dma.local @!p0 [hbm:s0], s1  }
0xbb: {  	s0 =	simm.s32 @!p0 $0x3  }
0xbc: {  	_ =	swait.ge @!p0 [sflag:s0], s1  }
0xbd: {  	s1 =	ssub.s32 @!p0 $0x0, s1;
	[sflag:s0] =	ssyncset.done @!p0 $0x0  }
0xbe: {  	[sflag:s0] =	ssyncadd.s32 @!p0 s1  }
0xbf: {  	[bflag:$0x3] =	sbarrier.arrive $0xFFFF  }
0xc0: {  	_ =	shalt  }

</sc_bundles>
